<compile_context>
chip_gen: v7x
topology: tpu7x:2x2x1
jax: 0.10.2.dev20260603
libtpu: 0.0.44.dev20260713+nightly
codegen_flags: <defaults>
</compile_context>

<pallas_src>
import jax
import jax.numpy as jnp
from jax import lax
from jax.experimental import pallas as pl
from jax.experimental.pallas import tpu as pltpu
from jax.experimental.pallas import tpu_sc as plsc

N_NODES = 10000
D = 128
NC = 2
NS = 16
L = 16
NT = NC * NS
B = 80
NB = 125
EPT = NB * B
RS = N_NODES // NS
CROWS = 640
CCH = CROWS // 128

_mesh = plsc.VectorSubcoreMesh(core_axis_name="core", subcore_axis_name="subcore")
_sc_params = pltpu.CompilerParams(needs_layout_passes=False,
                                  use_tc_tiling_on_sc=False)


def _deg_body(ei_hbm, cnt_hbm, col_v, cnt_v, idx_v, red_v, cnt_s):
    cid = lax.axis_index("core")
    sid = lax.axis_index("subcore")
    t = cid * NS + sid

    zeros16 = jnp.zeros((L,), jnp.float32)
    ones16 = jnp.ones((L,), jnp.float32)

    @pl.loop(0, CROWS)
    def _(r):
        cnt_v[r, :] = zeros16

    for c in range(CCH):
        @pl.loop(0, 128, step=L)
        def _(k, c=c):
            idx_v[c, pl.ds(k, L)] = lax.iota(jnp.int32, L) + (c * 128 + k)

    @pl.when(sid == 0)
    def _():
        pltpu.sync_copy(cnt_v, cnt_s)

    pltpu.sync_copy(ei_hbm.at[1, pl.ds(t * EPT, EPT)], col_v)

    @pl.loop(0, EPT, step=L)
    def _(i):
        idx = col_v[pl.ds(i, L)]
        plsc.addupdate_scatter(cnt_v, [idx >> 4, idx & 15], ones16)

    plsc.subcore_barrier()
    for c in range(CCH):
        pltpu.sync_copy(cnt_v.at[pl.ds(c * 128, 128)], cnt_s.at[idx_v.at[c]],
                        add=True)
    plsc.subcore_barrier()
    nsh = CROWS // NS
    pltpu.sync_copy(cnt_s.at[pl.ds(sid * nsh, nsh)], cnt_v.at[pl.ds(0, nsh)])

    @pl.loop(0, nsh)
    def _(r):
        red_v[pl.ds(r * L, L)] = cnt_v[r, :]

    pltpu.sync_copy(red_v, cnt_hbm.at[cid, pl.ds(sid * (nsh * L), nsh * L)])


@jax.jit
def _deg_call(ei):
    k = pl.kernel(
        _deg_body,
        out_type=jax.ShapeDtypeStruct((NC, CROWS * L), jnp.float32),
        mesh=_mesh,
        scratch_types=[
            pltpu.VMEM((EPT,), jnp.int32),
            pltpu.VMEM((CROWS, L), jnp.float32),
            pltpu.VMEM((CCH, 128), jnp.int32),
            pltpu.VMEM((CROWS // NS * L,), jnp.float32),
            pltpu.VMEM_SHARED((CROWS, L), jnp.float32),
        ],
        compiler_params=_sc_params,
    )
    return k(ei)


def _msg_body(y_hbm, ei_hbm, zero_hbm, p_hbm,
              row_v, col_v, buf0, buf1, acc_s, gsem0, gsem1):
    cid = lax.axis_index("core")
    sid = lax.axis_index("subcore")
    t = cid * NS + sid

    @pl.when(cid == 0)
    def _():
        pltpu.sync_copy(y_hbm.at[pl.ds(sid * RS, RS)],
                        acc_s.at[pl.ds(sid * RS, RS)])

    @pl.when(cid != 0)
    def _():
        pltpu.sync_copy(zero_hbm.at[pl.ds(sid * RS, RS)],
                        acc_s.at[pl.ds(sid * RS, RS)])

    pltpu.sync_copy(ei_hbm.at[0, pl.ds(t * EPT, EPT)], row_v)
    pltpu.sync_copy(ei_hbm.at[1, pl.ds(t * EPT, EPT)], col_v)
    plsc.subcore_barrier()

    def start(j, buf, sem):
        pltpu.async_copy(y_hbm.at[row_v.at[pl.ds(j * B, B)]], buf, sem)

    def wait(buf, sem):
        pltpu.make_async_copy(y_hbm.at[pl.ds(0, B)], buf, sem).wait()

    def scat(j, buf):
        pltpu.sync_copy(buf, acc_s.at[col_v.at[pl.ds(j * B, B)]], add=True)

    start(0, buf0, gsem0)

    @pl.loop(0, NB - 1, step=2)
    def _(j):
        start(j + 1, buf1, gsem1)
        wait(buf0, gsem0)
        scat(j, buf0)

        @pl.when(j + 2 < NB)
        def _():
            start(j + 2, buf0, gsem0)

        wait(buf1, gsem1)
        scat(j + 1, buf1)

    wait(buf0, gsem0)
    scat(NB - 1, buf0)

    plsc.subcore_barrier()
    pltpu.sync_copy(acc_s.at[pl.ds(sid * RS, RS)],
                    p_hbm.at[cid, pl.ds(sid * RS, RS)])


@jax.jit
def _msg_call(y, ei, zeros):
    k = pl.kernel(
        _msg_body,
        out_type=jax.ShapeDtypeStruct((NC, N_NODES, D), jnp.bfloat16),
        mesh=_mesh,
        scratch_types=[
            pltpu.VMEM((EPT,), jnp.int32),
            pltpu.VMEM((EPT,), jnp.int32),
            pltpu.VMEM((B, D), jnp.bfloat16),
            pltpu.VMEM((B, D), jnp.bfloat16),
            pltpu.VMEM_SHARED((N_NODES, D), jnp.bfloat16),
            pltpu.SemaphoreType.DMA,
            pltpu.SemaphoreType.DMA,
        ],
        compiler_params=_sc_params,
    )
    return k(y, ei, zeros)


ROWS_BLK = 2048
GRID = -(-N_NODES // ROWS_BLK)


def _mm_body(x_ref, w_ref, xt_ref):
    xt_ref[...] = lax.dot_general(
        x_ref[...], w_ref[...], (((1,), (1,)), ((), ())),
        preferred_element_type=jnp.float32,
        precision=lax.Precision.HIGHEST)


def _dis_block(cnt_ref):
    s = pl.program_id(0) * ROWS_BLK
    deg = cnt_ref[0, pl.ds(s, ROWS_BLK)] + cnt_ref[1, pl.ds(s, ROWS_BLK)] + 1.0
    return jnp.reshape(lax.rsqrt(deg), (ROWS_BLK, 1))


def _scale_body(xt_ref, cnt_ref, y_ref):
    y_ref[...] = (_dis_block(cnt_ref) * xt_ref[...]).astype(jnp.bfloat16)


def _final_body(p_ref, cnt_ref, bias_ref, o_ref):
    s = p_ref[0].astype(jnp.float32) + p_ref[1].astype(jnp.float32)
    o_ref[...] = _dis_block(cnt_ref) * s + bias_ref[...]


@jax.jit
def _tc_mm(x, W):
    return pl.pallas_call(
        _mm_body,
        grid=(GRID,),
        in_specs=[
            pl.BlockSpec((ROWS_BLK, D), lambda i: (i, 0)),
            pl.BlockSpec((D, D), lambda i: (0, 0)),
        ],
        out_specs=pl.BlockSpec((ROWS_BLK, D), lambda i: (i, 0)),
        out_shape=jax.ShapeDtypeStruct((N_NODES, D), jnp.float32),
    )(x, W)


@jax.jit
def _tc_scale(xt, cnt):
    return pl.pallas_call(
        _scale_body,
        grid=(GRID,),
        in_specs=[
            pl.BlockSpec((ROWS_BLK, D), lambda i: (i, 0)),
            pl.BlockSpec((NC, CROWS * L), lambda i: (0, 0)),
        ],
        out_specs=pl.BlockSpec((ROWS_BLK, D), lambda i: (i, 0)),
        out_shape=jax.ShapeDtypeStruct((N_NODES, D), jnp.bfloat16),
    )(xt, cnt)


@jax.jit
def _tc_final(p, cnt, bias):
    return pl.pallas_call(
        _final_body,
        grid=(GRID,),
        in_specs=[
            pl.BlockSpec((NC, ROWS_BLK, D), lambda i: (0, i, 0)),
            pl.BlockSpec((NC, CROWS * L), lambda i: (0, 0)),
            pl.BlockSpec((1, D), lambda i: (0, 0)),
        ],
        out_specs=pl.BlockSpec((ROWS_BLK, D), lambda i: (i, 0)),
        out_shape=jax.ShapeDtypeStruct((N_NODES, D), jnp.float32),
    )(p, cnt, bias)


def kernel(x, edge_index, W, bias):
    ei = edge_index.astype(jnp.int32)
    cnt = _deg_call(ei)
    xt = _tc_mm(x, W)
    y = _tc_scale(xt, cnt)
    zeros = jnp.zeros((N_NODES, D), jnp.bfloat16)
    p = _msg_call(y, ei, zeros)
    out = _tc_final(p, cnt, bias.reshape(1, D))
    return out

# --- scband reference (transcript-rebuilt; emitter-appended) ---
"""Pipeline reference for scband-gcnconv-layer-81535659147824 (READ-ONLY COPY).

The authoritative reference and input builder live on the scoring server;
editing this copy changes nothing except your own understanding.
"""

import jax, jax.numpy as jnp
import numpy as np

N_NODES = 10000
D_IN = 128
D_OUT = 128
N_EDGES = 320000

def setup_inputs(seed: int = 0) -> dict:
    key = jax.random.key(seed)
    k1, k2, k3 = jax.random.split(key, 3)
    x = jax.random.normal(k1, (N_NODES, D_IN), dtype=jnp.float32)
    edge_index = jax.random.randint(k2, (2, N_EDGES), 0, N_NODES, dtype=jnp.int64)
    # Linear(in_channels, out_channels, bias=False): weight shape [out, in]
    W = jax.random.normal(k3, (D_OUT, D_IN), dtype=jnp.float32) * (1.0 / np.sqrt(D_IN))
    bias = jnp.zeros((D_OUT,), dtype=jnp.float32)
    return {"x": x, "edge_index": edge_index, "W": W, "bias": bias}

def reference(x, edge_index, W, bias):
    N = x.shape[0]
    # add self loops
    loops = jnp.arange(N, dtype=edge_index.dtype)
    row = jnp.concatenate([edge_index[0], loops])
    col = jnp.concatenate([edge_index[1], loops])
    # linear transform
    xt = x @ W.T
    # degree over col (dst), as in PyG degree(col, ...)
    deg = jnp.zeros((N,), dtype=xt.dtype).at[col].add(1.0)
    deg_inv_sqrt = jnp.where(deg > 0, deg ** -0.5, 0.0)
    norm = deg_inv_sqrt[row] * deg_inv_sqrt[col]
    # message: norm * x_j (x_j = x[row], source), aggregated at col (dst) via scatter-add
    msg = norm[:, None] * xt[row]
    out = jnp.zeros((N, xt.shape[1]), dtype=xt.dtype).at[col].add(msg)
    out = out + bias
    return out

if __name__ == "__main__":
    import jax
    _d = setup_inputs()
    print(jax.jit(kernel)(*tuple(_d.values())))

</pallas_src>

<mosaic_0001>
#map = affine_map<(d0, d1) -> (0, 0)>
module attributes {stable_mosaic.version = 14 : i64} {
  func.func @_deg_body(%arg0: i32, %arg1: i32, %arg2: memref<2x320000xi32, #tpu.memory_space<hbm>>, %arg3: memref<2x10240xf32, #tpu.memory_space<hbm>>, %arg4: memref<10000xi32, #tpu.memory_space<vmem>>, %arg5: memref<640x16xf32, #tpu.memory_space<vmem>>, %arg6: memref<5x128xi32, #tpu.memory_space<vmem>>, %arg7: memref<640xf32, #tpu.memory_space<vmem>>, %arg8: memref<640x16xf32, #tpu.memory_space<vmem_shared>>) attributes {dimension_semantics = [#tpu.dimension_semantics<core_parallel>, #tpu.dimension_semantics<subcore_parallel>], iteration_bounds = array<i64: 2, 16>, scalar_prefetch = 0 : i64, scratch_operands = 5 : i64, tpu.core_type = #tpu.core_type<sc_vector_subcore>, window_params = [{transform_indices = #map}, {transform_indices = #map}]} {
    %mul3A = arith.constant 16 : i32
    %mul3A_0 = arith.muli %arg0, %mul3A : i32
    %add3A = arith.addi %mul3A_0, %arg1 : i32
    %broadcast_in_dim3A = arith.constant 0.000000e+00 : f32
    %broadcast_in_dim3A_1 = vector.broadcast %broadcast_in_dim3A : f32 to vector<16xf32>
    %broadcast_in_dim3A_2 = arith.constant 1.000000e+00 : f32
    %broadcast_in_dim3A_3 = vector.broadcast %broadcast_in_dim3A_2 : f32 to vector<16xf32>
    %scan3A = arith.constant 0 : i32
    %scan3A_4 = arith.constant 640 : i32
    %scan3A_5 = arith.addi %scan3A, %scan3A_4 : i32
    %scan3A_6 = arith.constant 1 : i32
    scf.for %scan3A_57 = %scan3A to %scan3A_5 step %scan3A_6  : i32 {
      %mul3A_58 = arith.constant 1 : i32
      %mul3A_59 = arith.muli %scan3A_57, %mul3A_58 : i32
      %add3A_60 = arith.constant 0 : i32
      %add3A_61 = arith.addi %add3A_60, %mul3A_59 : i32
      %swap3A = arith.index_cast %add3A_61 : i32 to index
      %swap3A_62 = arith.constant 0 : index
      %swap3A_63 = tpu.vector_load %arg5[%swap3A, %swap3A_62] {strides = array<i32>} : memref<640x16xf32, #tpu.memory_space<vmem>>, vector<16xf32>,
      tpu.vector_store %arg5[%swap3A, %swap3A_62], %broadcast_in_dim3A_1 {strides = array<i32>} : memref<640x16xf32, #tpu.memory_space<vmem>>, vector<16xf32>,
    }
    %scan3A_7 = arith.constant 640 : i32
    %scan3A_8 = arith.constant 0 : i32
    %scan3A_9 = arith.constant 8 : i32
    %scan3A_10 = arith.addi %scan3A_8, %scan3A_9 : i32
    %scan3A_11 = arith.constant 1 : i32
    scf.for %scan3A_57 = %scan3A_8 to %scan3A_10 step %scan3A_11  : i32 {
      %mul3A_58 = arith.constant 16 : i32
      %mul3A_59 = arith.muli %scan3A_57, %mul3A_58 : i32
      %add3A_60 = arith.constant 0 : i32
      %add3A_61 = arith.addi %add3A_60, %mul3A_59 : i32
      %iota3A = tpu.iota {dimensions = array<i32: 0>} : vector<16xi32>
      %add3A_62 = arith.constant 0 : i32
      %add3A_63 = arith.addi %add3A_62, %add3A_61 : i32
      %add3A_64 = vector.broadcast %add3A_63 : i32 to vector<16xi32>
      %add3A_65 = arith.addi %iota3A, %add3A_64 : vector<16xi32>
      %swap3A = arith.constant 0 : i32
      %swap3A_66 = arith.index_cast %swap3A : i32 to index
      %swap3A_67 = arith.index_cast %add3A_61 : i32 to index
      %swap3A_68 = tpu.vector_load %arg6[%swap3A_66, %swap3A_67] {strides = array<i32>} : memref<5x128xi32, #tpu.memory_space<vmem>>, vector<16xi32>,
      tpu.vector_store %arg6[%swap3A_66, %swap3A_67], %add3A_65 {strides = array<i32>} : memref<5x128xi32, #tpu.memory_space<vmem>>, vector<16xi32>,
    }
    %scan3A_12 = arith.constant 8 : i32
    %scan3A_13 = arith.constant 0 : i32
    %scan3A_14 = arith.constant 8 : i32
    %scan3A_15 = arith.addi %scan3A_13, %scan3A_14 : i32
    %scan3A_16 = arith.constant 1 : i32
    scf.for %scan3A_57 = %scan3A_13 to %scan3A_15 step %scan3A_16  : i32 {
      %mul3A_58 = arith.constant 16 : i32
      %mul3A_59 = arith.muli %scan3A_57, %mul3A_58 : i32
      %add3A_60 = arith.constant 0 : i32
      %add3A_61 = arith.addi %add3A_60, %mul3A_59 : i32
      %iota3A = tpu.iota {dimensions = array<i32: 0>} : vector<16xi32>
      %add3A_62 = arith.constant 128 : i32
      %add3A_63 = arith.addi %add3A_62, %add3A_61 : i32
      %add3A_64 = vector.broadcast %add3A_63 : i32 to vector<16xi32>
      %add3A_65 = arith.addi %iota3A, %add3A_64 : vector<16xi32>
      %swap3A = arith.constant 1 : i32
      %swap3A_66 = arith.index_cast %swap3A : i32 to index
      %swap3A_67 = arith.index_cast %add3A_61 : i32 to index
      %swap3A_68 = tpu.vector_load %arg6[%swap3A_66, %swap3A_67] {strides = array<i32>} : memref<5x128xi32, #tpu.memory_space<vmem>>, vector<16xi32>,
      tpu.vector_store %arg6[%swap3A_66, %swap3A_67], %add3A_65 {strides = array<i32>} : memref<5x128xi32, #tpu.memory_space<vmem>>, vector<16xi32>,
    }
    %scan3A_17 = arith.constant 8 : i32
    %scan3A_18 = arith.constant 0 : i32
    %scan3A_19 = arith.constant 8 : i32
    %scan3A_20 = arith.addi %scan3A_18, %scan3A_19 : i32
    %scan3A_21 = arith.constant 1 : i32
    scf.for %scan3A_57 = %scan3A_18 to %scan3A_20 step %scan3A_21  : i32 {
      %mul3A_58 = arith.constant 16 : i32
      %mul3A_59 = arith.muli %scan3A_57, %mul3A_58 : i32
      %add3A_60 = arith.constant 0 : i32
      %add3A_61 = arith.addi %add3A_60, %mul3A_59 : i32
      %iota3A = tpu.iota {dimensions = array<i32: 0>} : vector<16xi32>
      %add3A_62 = arith.constant 256 : i32
      %add3A_63 = arith.addi %add3A_62, %add3A_61 : i32
      %add3A_64 = vector.broadcast %add3A_63 : i32 to vector<16xi32>
      %add3A_65 = arith.addi %iota3A, %add3A_64 : vector<16xi32>
      %swap3A = arith.constant 2 : i32
      %swap3A_66 = arith.index_cast %swap3A : i32 to index
      %swap3A_67 = arith.index_cast %add3A_61 : i32 to index
      %swap3A_68 = tpu.vector_load %arg6[%swap3A_66, %swap3A_67] {strides = array<i32>} : memref<5x128xi32, #tpu.memory_space<vmem>>, vector<16xi32>,
      tpu.vector_store %arg6[%swap3A_66, %swap3A_67], %add3A_65 {strides = array<i32>} : memref<5x128xi32, #tpu.memory_space<vmem>>, vector<16xi32>,
    }
    %scan3A_22 = arith.constant 8 : i32
    %scan3A_23 = arith.constant 0 : i32
    %scan3A_24 = arith.constant 8 : i32
    %scan3A_25 = arith.addi %scan3A_23, %scan3A_24 : i32
    %scan3A_26 = arith.constant 1 : i32
    scf.for %scan3A_57 = %scan3A_23 to %scan3A_25 step %scan3A_26  : i32 {
      %mul3A_58 = arith.constant 16 : i32
      %mul3A_59 = arith.muli %scan3A_57, %mul3A_58 : i32
      %add3A_60 = arith.constant 0 : i32
      %add3A_61 = arith.addi %add3A_60, %mul3A_59 : i32
      %iota3A = tpu.iota {dimensions = array<i32: 0>} : vector<16xi32>
      %add3A_62 = arith.constant 384 : i32
      %add3A_63 = arith.addi %add3A_62, %add3A_61 : i32
      %add3A_64 = vector.broadcast %add3A_63 : i32 to vector<16xi32>
      %add3A_65 = arith.addi %iota3A, %add3A_64 : vector<16xi32>
      %swap3A = arith.constant 3 : i32
      %swap3A_66 = arith.index_cast %swap3A : i32 to index
      %swap3A_67 = arith.index_cast %add3A_61 : i32 to index
      %swap3A_68 = tpu.vector_load %arg6[%swap3A_66, %swap3A_67] {strides = array<i32>} : memref<5x128xi32, #tpu.memory_space<vmem>>, vector<16xi32>,
      tpu.vector_store %arg6[%swap3A_66, %swap3A_67], %add3A_65 {strides = array<i32>} : memref<5x128xi32, #tpu.memory_space<vmem>>, vector<16xi32>,
    }
    %scan3A_27 = arith.constant 8 : i32
    %scan3A_28 = arith.constant 0 : i32
    %scan3A_29 = arith.constant 8 : i32
    %scan3A_30 = arith.addi %scan3A_28, %scan3A_29 : i32
    %scan3A_31 = arith.constant 1 : i32
    scf.for %scan3A_57 = %scan3A_28 to %scan3A_30 step %scan3A_31  : i32 {
      %mul3A_58 = arith.constant 16 : i32
      %mul3A_59 = arith.muli %scan3A_57, %mul3A_58 : i32
      %add3A_60 = arith.constant 0 : i32
      %add3A_61 = arith.addi %add3A_60, %mul3A_59 : i32
      %iota3A = tpu.iota {dimensions = array<i32: 0>} : vector<16xi32>
      %add3A_62 = arith.constant 512 : i32
      %add3A_63 = arith.addi %add3A_62, %add3A_61 : i32
      %add3A_64 = vector.broadcast %add3A_63 : i32 to vector<16xi32>
      %add3A_65 = arith.addi %iota3A, %add3A_64 : vector<16xi32>
      %swap3A = arith.constant 4 : i32
      %swap3A_66 = arith.index_cast %swap3A : i32 to index
      %swap3A_67 = arith.index_cast %add3A_61 : i32 to index
      %swap3A_68 = tpu.vector_load %arg6[%swap3A_66, %swap3A_67] {strides = array<i32>} : memref<5x128xi32, #tpu.memory_space<vmem>>, vector<16xi32>,
      tpu.vector_store %arg6[%swap3A_66, %swap3A_67], %add3A_65 {strides = array<i32>} : memref<5x128xi32, #tpu.memory_space<vmem>>, vector<16xi32>,
    }
    %scan3A_32 = arith.constant 8 : i32
    %eq3A = arith.constant 0 : i32
    %eq3A_33 = arith.cmpi eq, %arg1, %eq3A : i32
    %convert_element_type3A = arith.extui %eq3A_33 : i1 to i32
    %cond3A = arith.constant 0 : i32
    %cond3A_34 = arith.cmpi ne, %convert_element_type3A, %cond3A : i32
    scf.if %cond3A_34 {
      "tpu.region"() ({
        %run_scoped3A_57 = tpu.sem_alloc : memref<!tpu.dma_semaphore, #tpu.memory_space<semaphore_mem>>
        tpu.enqueue_dma source(%arg5 : memref<640x16xf32, #tpu.memory_space<vmem>>) target(%arg8 : memref<640x16xf32, #tpu.memory_space<vmem_shared>>) target_semaphore(%run_scoped3A_57 : memref<!tpu.dma_semaphore, #tpu.memory_space<semaphore_mem>>)
        tpu.wait_dma2 semaphore(%run_scoped3A_57 : memref<!tpu.dma_semaphore, #tpu.memory_space<semaphore_mem>>) src(%arg5 : memref<640x16xf32, #tpu.memory_space<vmem>>) dst(%arg8 : memref<640x16xf32, #tpu.memory_space<vmem_shared>>)
        tpu.yield
      }) : () -> ()
    } else {
    }
    %mul3A_35 = arith.constant 10000 : i32
    %mul3A_36 = arith.muli %add3A, %mul3A_35 : i32
    %run_scoped3A = arith.constant 1 : i32
    "tpu.region"() ({
      %run_scoped3A_57 = tpu.sem_alloc : memref<!tpu.dma_semaphore, #tpu.memory_space<semaphore_mem>>
      %dma_start3A = tpu.memref_slice %arg2[%run_scoped3A, %mul3A_36] : memref<2x320000xi32, #tpu.memory_space<hbm>> -> memref<1x10000xi32, #tpu.memory_space<hbm>>
      %dma_start3A_58 = tpu.memref_squeeze %dma_start3A : memref<1x10000xi32, #tpu.memory_space<hbm>> -> memref<10000xi32, #tpu.memory_space<hbm>>
      %dma_start3A_59 = tpu.memref_slice %arg2[%run_scoped3A, %mul3A_36] : memref<2x320000xi32, #tpu.memory_space<hbm>> -> memref<1x10000xi32, #tpu.memory_space<hbm>>
      %dma_start3A_60 = tpu.memref_squeeze %dma_start3A_59 : memref<1x10000xi32, #tpu.memory_space<hbm>> -> memref<10000xi32, #tpu.memory_space<hbm>>
      tpu.enqueue_dma source(%dma_start3A_60 : memref<10000xi32, #tpu.memory_space<hbm>>) target(%arg4 : memref<10000xi32, #tpu.memory_space<vmem>>) target_semaphore(%run_scoped3A_57 : memref<!tpu.dma_semaphore, #tpu.memory_space<semaphore_mem>>)
      %dma_wait3A = tpu.memref_slice %arg2[%run_scoped3A, %mul3A_36] : memref<2x320000xi32, #tpu.memory_space<hbm>> -> memref<1x10000xi32, #tpu.memory_space<hbm>>
      %dma_wait3A_61 = tpu.memref_squeeze %dma_wait3A : memref<1x10000xi32, #tpu.memory_space<hbm>> -> memref<10000xi32, #tpu.memory_space<hbm>>
      %dma_wait3A_62 = tpu.memref_slice %arg2[%run_scoped3A, %mul3A_36] : memref<2x320000xi32, #tpu.memory_space<hbm>> -> memref<1x10000xi32, #tpu.memory_space<hbm>>
      %dma_wait3A_63 = tpu.memref_squeeze %dma_wait3A_62 : memref<1x10000xi32, #tpu.memory_space<hbm>> -> memref<10000xi32, #tpu.memory_space<hbm>>
      tpu.wait_dma2 semaphore(%run_scoped3A_57 : memref<!tpu.dma_semaphore, #tpu.memory_space<semaphore_mem>>) src(%dma_wait3A_63 : memref<10000xi32, #tpu.memory_space<hbm>>) dst(%arg4 : memref<10000xi32, #tpu.memory_space<vmem>>)
      tpu.yield
    }) : () -> ()
    %scan3A_37 = arith.constant 0 : i32
    %scan3A_38 = arith.constant 625 : i32
    %scan3A_39 = arith.addi %scan3A_37, %scan3A_38 : i32
    %scan3A_40 = arith.constant 1 : i32
    scf.for %scan3A_57 = %scan3A_37 to %scan3A_39 step %scan3A_40  : i32 {
      %mul3A_58 = arith.constant 16 : i32
      %mul3A_59 = arith.muli %scan3A_57, %mul3A_58 : i32
      %add3A_60 = arith.constant 0 : i32
      %add3A_61 = arith.addi %add3A_60, %mul3A_59 : i32
      %get3A = arith.index_cast %add3A_61 : i32 to index
      %get3A_62 = tpu.vector_load %arg4[%get3A] {strides = array<i32>} : memref<10000xi32, #tpu.memory_space<vmem>>, vector<16xi32>,
      %shift_right_arithmetic3A = arith.constant 4 : i32
      %shift_right_arithmetic3A_63 = vector.broadcast %shift_right_arithmetic3A : i32 to vector<16xi32>
      %shift_right_arithmetic3A_64 = arith.shrsi %get3A_62, %shift_right_arithmetic3A_63 : vector<16xi32>
      %and3A = arith.constant 15 : i32
      %and3A_65 = vector.broadcast %and3A : i32 to vector<16xi32>
      %and3A_66 = arith.andi %get3A_62, %and3A_65 : vector<16xi32>
      tpu.vector_store_idx %arg5[%shift_right_arithmetic3A_64, %and3A_66], %broadcast_in_dim3A_3 {add = true} : memref<640x16xf32, #tpu.memory_space<vmem>>[vector<16xi32>, vector<16xi32>], vector<16xf32>,
    }
    %scan3A_41 = arith.constant 625 : i32
    %barrier3A = arith.constant 0 : index
    tpu.barrier barrier_id(%barrier3A)
    %run_scoped3A_42 = arith.constant 0 : i32
    "tpu.region"() ({
      %run_scoped3A_57 = tpu.sem_alloc : memref<!tpu.dma_semaphore, #tpu.memory_space<semaphore_mem>>
      %dma_start3A = arith.constant 0 : i32
      %dma_start3A_58 = arith.constant 0 : i32
      %dma_start3A_59 = tpu.memref_slice %arg5[%dma_start3A, %dma_start3A_58] : memref<640x16xf32, #tpu.memory_space<vmem>> -> memref<128x16xf32, #tpu.memory_space<vmem>>
      %dma_start3A_60 = arith.constant 0 : i32
      %dma_start3A_61 = tpu.memref_slice %arg6[%run_scoped3A_42, %dma_start3A_60] : memref<5x128xi32, #tpu.memory_space<vmem>> -> memref<1x128xi32, #tpu.memory_space<vmem>>
      %dma_start3A_62 = tpu.memref_squeeze %dma_start3A_61 : memref<1x128xi32, #tpu.memory_space<vmem>> -> memref<128xi32, #tpu.memory_space<vmem>>
      %dma_start3A_63 = arith.constant 0 : i32
      %dma_start3A_64 = arith.constant 0 : i32
      %dma_start3A_65 = tpu.memref_slice %arg8[%dma_start3A_63, %dma_start3A_64] : memref<640x16xf32, #tpu.memory_space<vmem_shared>> -> memref<640x16xf32, #tpu.memory_space<vmem_shared>>
      tpu.enqueue_indirect_dma source(%dma_start3A_59 : memref<128x16xf32, #tpu.memory_space<vmem>>) target(%dma_start3A_65 : memref<640x16xf32, #tpu.memory_space<vmem_shared>>) offsets(%dma_start3A_62 : memref<128xi32, #tpu.memory_space<vmem>>) semaphore(%run_scoped3A_57 : memref<!tpu.dma_semaphore, #tpu.memory_space<semaphore_mem>>) {add = true}
      %dma_wait3A = arith.constant 0 : i32
      %dma_wait3A_66 = arith.constant 0 : i32
      %dma_wait3A_67 = tpu.memref_slice %arg5[%dma_wait3A, %dma_wait3A_66] : memref<640x16xf32, #tpu.memory_space<vmem>> -> memref<128x16xf32, #tpu.memory_space<vmem>>
      %dma_wait3A_68 = arith.constant 0 : i32
      %dma_wait3A_69 = tpu.memref_slice %arg6[%run_scoped3A_42, %dma_wait3A_68] : memref<5x128xi32, #tpu.memory_space<vmem>> -> memref<1x128xi32, #tpu.memory_space<vmem>>
      %dma_wait3A_70 = tpu.memref_squeeze %dma_wait3A_69 : memref<1x128xi32, #tpu.memory_space<vmem>> -> memref<128xi32, #tpu.memory_space<vmem>>
      %dma_wait3A_71 = arith.constant 0 : i32
      %dma_wait3A_72 = arith.constant 0 : i32
      %dma_wait3A_73 = tpu.memref_slice %arg8[%dma_wait3A_71, %dma_wait3A_72] : memref<640x16xf32, #tpu.memory_space<vmem_shared>> -> memref<640x16xf32, #tpu.memory_space<vmem_shared>>
      tpu.wait_indirect_dma semaphore(%run_scoped3A_57 : memref<!tpu.dma_semaphore, #tpu.memory_space<semaphore_mem>>) src(%dma_wait3A_67 : memref<128x16xf32, #tpu.memory_space<vmem>>) dst(%dma_wait3A_73 : memref<640x16xf32, #tpu.memory_space<vmem_shared>>)
      tpu.yield
    }) : () -> ()
    %run_scoped3A_43 = arith.constant 1 : i32
    "tpu.region"() ({
      %run_scoped3A_57 = tpu.sem_alloc : memref<!tpu.dma_semaphore, #tpu.memory_space<semaphore_mem>>
      %dma_start3A = arith.constant 128 : i32
      %dma_start3A_58 = arith.constant 0 : i32
      %dma_start3A_59 = tpu.memref_slice %arg5[%dma_start3A, %dma_start3A_58] : memref<640x16xf32, #tpu.memory_space<vmem>> -> memref<128x16xf32, #tpu.memory_space<vmem>>
      %dma_start3A_60 = arith.constant 0 : i32
      %dma_start3A_61 = tpu.memref_slice %arg6[%run_scoped3A_43, %dma_start3A_60] : memref<5x128xi32, #tpu.memory_space<vmem>> -> memref<1x128xi32, #tpu.memory_space<vmem>>
      %dma_start3A_62 = tpu.memref_squeeze %dma_start3A_61 : memref<1x128xi32, #tpu.memory_space<vmem>> -> memref<128xi32, #tpu.memory_space<vmem>>
      %dma_start3A_63 = arith.constant 0 : i32
      %dma_start3A_64 = arith.constant 0 : i32
      %dma_start3A_65 = tpu.memref_slice %arg8[%dma_start3A_63, %dma_start3A_64] : memref<640x16xf32, #tpu.memory_space<vmem_shared>> -> memref<640x16xf32, #tpu.memory_space<vmem_shared>>
      tpu.enqueue_indirect_dma source(%dma_start3A_59 : memref<128x16xf32, #tpu.memory_space<vmem>>) target(%dma_start3A_65 : memref<640x16xf32, #tpu.memory_space<vmem_shared>>) offsets(%dma_start3A_62 : memref<128xi32, #tpu.memory_space<vmem>>) semaphore(%run_scoped3A_57 : memref<!tpu.dma_semaphore, #tpu.memory_space<semaphore_mem>>) {add = true}
      %dma_wait3A = arith.constant 128 : i32
      %dma_wait3A_66 = arith.constant 0 : i32
      %dma_wait3A_67 = tpu.memref_slice %arg5[%dma_wait3A, %dma_wait3A_66] : memref<640x16xf32, #tpu.memory_space<vmem>> -> memref<128x16xf32, #tpu.memory_space<vmem>>
      %dma_wait3A_68 = arith.constant 0 : i32
      %dma_wait3A_69 = tpu.memref_slice %arg6[%run_scoped3A_43, %dma_wait3A_68] : memref<5x128xi32, #tpu.memory_space<vmem>> -> memref<1x128xi32, #tpu.memory_space<vmem>>
      %dma_wait3A_70 = tpu.memref_squeeze %dma_wait3A_69 : memref<1x128xi32, #tpu.memory_space<vmem>> -> memref<128xi32, #tpu.memory_space<vmem>>
      %dma_wait3A_71 = arith.constant 0 : i32
      %dma_wait3A_72 = arith.constant 0 : i32
      %dma_wait3A_73 = tpu.memref_slice %arg8[%dma_wait3A_71, %dma_wait3A_72] : memref<640x16xf32, #tpu.memory_space<vmem_shared>> -> memref<640x16xf32, #tpu.memory_space<vmem_shared>>
      tpu.wait_indirect_dma semaphore(%run_scoped3A_57 : memref<!tpu.dma_semaphore, #tpu.memory_space<semaphore_mem>>) src(%dma_wait3A_67 : memref<128x16xf32, #tpu.memory_space<vmem>>) dst(%dma_wait3A_73 : memref<640x16xf32, #tpu.memory_space<vmem_shared>>)
      tpu.yield
    }) : () -> ()
    %run_scoped3A_44 = arith.constant 2 : i32
    "tpu.region"() ({
      %run_scoped3A_57 = tpu.sem_alloc : memref<!tpu.dma_semaphore, #tpu.memory_space<semaphore_mem>>
      %dma_start3A = arith.constant 256 : i32
      %dma_start3A_58 = arith.constant 0 : i32
      %dma_start3A_59 = tpu.memref_slice %arg5[%dma_start3A, %dma_start3A_58] : memref<640x16xf32, #tpu.memory_space<vmem>> -> memref<128x16xf32, #tpu.memory_space<vmem>>
      %dma_start3A_60 = arith.constant 0 : i32
      %dma_start3A_61 = tpu.memref_slice %arg6[%run_scoped3A_44, %dma_start3A_60] : memref<5x128xi32, #tpu.memory_space<vmem>> -> memref<1x128xi32, #tpu.memory_space<vmem>>
      %dma_start3A_62 = tpu.memref_squeeze %dma_start3A_61 : memref<1x128xi32, #tpu.memory_space<vmem>> -> memref<128xi32, #tpu.memory_space<vmem>>
      %dma_start3A_63 = arith.constant 0 : i32
      %dma_start3A_64 = arith.constant 0 : i32
      %dma_start3A_65 = tpu.memref_slice %arg8[%dma_start3A_63, %dma_start3A_64] : memref<640x16xf32, #tpu.memory_space<vmem_shared>> -> memref<640x16xf32, #tpu.memory_space<vmem_shared>>
      tpu.enqueue_indirect_dma source(%dma_start3A_59 : memref<128x16xf32, #tpu.memory_space<vmem>>) target(%dma_start3A_65 : memref<640x16xf32, #tpu.memory_space<vmem_shared>>) offsets(%dma_start3A_62 : memref<128xi32, #tpu.memory_space<vmem>>) semaphore(%run_scoped3A_57 : memref<!tpu.dma_semaphore, #tpu.memory_space<semaphore_mem>>) {add = true}
      %dma_wait3A = arith.constant 256 : i32
      %dma_wait3A_66 = arith.constant 0 : i32
      %dma_wait3A_67 = tpu.memref_slice %arg5[%dma_wait3A, %dma_wait3A_66] : memref<640x16xf32, #tpu.memory_space<vmem>> -> memref<128x16xf32, #tpu.memory_space<vmem>>
      %dma_wait3A_68 = arith.constant 0 : i32
      %dma_wait3A_69 = tpu.memref_slice %arg6[%run_scoped3A_44, %dma_wait3A_68] : memref<5x128xi32, #tpu.memory_space<vmem>> -> memref<1x128xi32, #tpu.memory_space<vmem>>
      %dma_wait3A_70 = tpu.memref_squeeze %dma_wait3A_69 : memref<1x128xi32, #tpu.memory_space<vmem>> -> memref<128xi32, #tpu.memory_space<vmem>>
      %dma_wait3A_71 = arith.constant 0 : i32
      %dma_wait3A_72 = arith.constant 0 : i32
      %dma_wait3A_73 = tpu.memref_slice %arg8[%dma_wait3A_71, %dma_wait3A_72] : memref<640x16xf32, #tpu.memory_space<vmem_shared>> -> memref<640x16xf32, #tpu.memory_space<vmem_shared>>
      tpu.wait_indirect_dma semaphore(%run_scoped3A_57 : memref<!tpu.dma_semaphore, #tpu.memory_space<semaphore_mem>>) src(%dma_wait3A_67 : memref<128x16xf32, #tpu.memory_space<vmem>>) dst(%dma_wait3A_73 : memref<640x16xf32, #tpu.memory_space<vmem_shared>>)
      tpu.yield
    }) : () -> ()
    %run_scoped3A_45 = arith.constant 3 : i32
    "tpu.region"() ({
      %run_scoped3A_57 = tpu.sem_alloc : memref<!tpu.dma_semaphore, #tpu.memory_space<semaphore_mem>>
      %dma_start3A = arith.constant 384 : i32
      %dma_start3A_58 = arith.constant 0 : i32
      %dma_start3A_59 = tpu.memref_slice %arg5[%dma_start3A, %dma_start3A_58] : memref<640x16xf32, #tpu.memory_space<vmem>> -> memref<128x16xf32, #tpu.memory_space<vmem>>
      %dma_start3A_60 = arith.constant 0 : i32
      %dma_start3A_61 = tpu.memref_slice %arg6[%run_scoped3A_45, %dma_start3A_60] : memref<5x128xi32, #tpu.memory_space<vmem>> -> memref<1x128xi32, #tpu.memory_space<vmem>>
      %dma_start3A_62 = tpu.memref_squeeze %dma_start3A_61 : memref<1x128xi32, #tpu.memory_space<vmem>> -> memref<128xi32, #tpu.memory_space<vmem>>
      %dma_start3A_63 = arith.constant 0 : i32
      %dma_start3A_64 = arith.constant 0 : i32
      %dma_start3A_65 = tpu.memref_slice %arg8[%dma_start3A_63, %dma_start3A_64] : memref<640x16xf32, #tpu.memory_space<vmem_shared>> -> memref<640x16xf32, #tpu.memory_space<vmem_shared>>
      tpu.enqueue_indirect_dma source(%dma_start3A_59 : memref<128x16xf32, #tpu.memory_space<vmem>>) target(%dma_start3A_65 : memref<640x16xf32, #tpu.memory_space<vmem_shared>>) offsets(%dma_start3A_62 : memref<128xi32, #tpu.memory_space<vmem>>) semaphore(%run_scoped3A_57 : memref<!tpu.dma_semaphore, #tpu.memory_space<semaphore_mem>>) {add = true}
      %dma_wait3A = arith.constant 384 : i32
      %dma_wait3A_66 = arith.constant 0 : i32
      %dma_wait3A_67 = tpu.memref_slice %arg5[%dma_wait3A, %dma_wait3A_66] : memref<640x16xf32, #tpu.memory_space<vmem>> -> memref<128x16xf32, #tpu.memory_space<vmem>>
      %dma_wait3A_68 = arith.constant 0 : i32
      %dma_wait3A_69 = tpu.memref_slice %arg6[%run_scoped3A_45, %dma_wait3A_68] : memref<5x128xi32, #tpu.memory_space<vmem>> -> memref<1x128xi32, #tpu.memory_space<vmem>>
      %dma_wait3A_70 = tpu.memref_squeeze %dma_wait3A_69 : memref<1x128xi32, #tpu.memory_space<vmem>> -> memref<128xi32, #tpu.memory_space<vmem>>
      %dma_wait3A_71 = arith.constant 0 : i32
      %dma_wait3A_72 = arith.constant 0 : i32
      %dma_wait3A_73 = tpu.memref_slice %arg8[%dma_wait3A_71, %dma_wait3A_72] : memref<640x16xf32, #tpu.memory_space<vmem_shared>> -> memref<640x16xf32, #tpu.memory_space<vmem_shared>>
      tpu.wait_indirect_dma semaphore(%run_scoped3A_57 : memref<!tpu.dma_semaphore, #tpu.memory_space<semaphore_mem>>) src(%dma_wait3A_67 : memref<128x16xf32, #tpu.memory_space<vmem>>) dst(%dma_wait3A_73 : memref<640x16xf32, #tpu.memory_space<vmem_shared>>)
      tpu.yield
    }) : () -> ()
    %run_scoped3A_46 = arith.constant 4 : i32
    "tpu.region"() ({
      %run_scoped3A_57 = tpu.sem_alloc : memref<!tpu.dma_semaphore, #tpu.memory_space<semaphore_mem>>
      %dma_start3A = arith.constant 512 : i32
      %dma_start3A_58 = arith.constant 0 : i32
      %dma_start3A_59 = tpu.memref_slice %arg5[%dma_start3A, %dma_start3A_58] : memref<640x16xf32, #tpu.memory_space<vmem>> -> memref<128x16xf32, #tpu.memory_space<vmem>>
      %dma_start3A_60 = arith.constant 0 : i32
      %dma_start3A_61 = tpu.memref_slice %arg6[%run_scoped3A_46, %dma_start3A_60] : memref<5x128xi32, #tpu.memory_space<vmem>> -> memref<1x128xi32, #tpu.memory_space<vmem>>
      %dma_start3A_62 = tpu.memref_squeeze %dma_start3A_61 : memref<1x128xi32, #tpu.memory_space<vmem>> -> memref<128xi32, #tpu.memory_space<vmem>>
      %dma_start3A_63 = arith.constant 0 : i32
      %dma_start3A_64 = arith.constant 0 : i32
      %dma_start3A_65 = tpu.memref_slice %arg8[%dma_start3A_63, %dma_start3A_64] : memref<640x16xf32, #tpu.memory_space<vmem_shared>> -> memref<640x16xf32, #tpu.memory_space<vmem_shared>>
      tpu.enqueue_indirect_dma source(%dma_start3A_59 : memref<128x16xf32, #tpu.memory_space<vmem>>) target(%dma_start3A_65 : memref<640x16xf32, #tpu.memory_space<vmem_shared>>) offsets(%dma_start3A_62 : memref<128xi32, #tpu.memory_space<vmem>>) semaphore(%run_scoped3A_57 : memref<!tpu.dma_semaphore, #tpu.memory_space<semaphore_mem>>) {add = true}
      %dma_wait3A = arith.constant 512 : i32
      %dma_wait3A_66 = arith.constant 0 : i32
      %dma_wait3A_67 = tpu.memref_slice %arg5[%dma_wait3A, %dma_wait3A_66] : memref<640x16xf32, #tpu.memory_space<vmem>> -> memref<128x16xf32, #tpu.memory_space<vmem>>
      %dma_wait3A_68 = arith.constant 0 : i32
      %dma_wait3A_69 = tpu.memref_slice %arg6[%run_scoped3A_46, %dma_wait3A_68] : memref<5x128xi32, #tpu.memory_space<vmem>> -> memref<1x128xi32, #tpu.memory_space<vmem>>
      %dma_wait3A_70 = tpu.memref_squeeze %dma_wait3A_69 : memref<1x128xi32, #tpu.memory_space<vmem>> -> memref<128xi32, #tpu.memory_space<vmem>>
      %dma_wait3A_71 = arith.constant 0 : i32
      %dma_wait3A_72 = arith.constant 0 : i32
      %dma_wait3A_73 = tpu.memref_slice %arg8[%dma_wait3A_71, %dma_wait3A_72] : memref<640x16xf32, #tpu.memory_space<vmem_shared>> -> memref<640x16xf32, #tpu.memory_space<vmem_shared>>
      tpu.wait_indirect_dma semaphore(%run_scoped3A_57 : memref<!tpu.dma_semaphore, #tpu.memory_space<semaphore_mem>>) src(%dma_wait3A_67 : memref<128x16xf32, #tpu.memory_space<vmem>>) dst(%dma_wait3A_73 : memref<640x16xf32, #tpu.memory_space<vmem_shared>>)
      tpu.yield
    }) : () -> ()
    %barrier3A_47 = arith.constant 0 : index
    tpu.barrier barrier_id(%barrier3A_47)
    %mul3A_48 = arith.constant 40 : i32
    %mul3A_49 = arith.muli %arg1, %mul3A_48 : i32
    "tpu.region"() ({
      %run_scoped3A_57 = tpu.sem_alloc : memref<!tpu.dma_semaphore, #tpu.memory_space<semaphore_mem>>
      %dma_start3A = arith.constant 0 : i32
      %dma_start3A_58 = arith.constant 0 : i32
      %dma_start3A_59 = tpu.memref_slice %arg5[%dma_start3A, %dma_start3A_58] : memref<640x16xf32, #tpu.memory_space<vmem>> -> memref<40x16xf32, #tpu.memory_space<vmem>>
      %dma_start3A_60 = arith.constant 0 : i32
      %dma_start3A_61 = tpu.memref_slice %arg8[%mul3A_49, %dma_start3A_60] : memref<640x16xf32, #tpu.memory_space<vmem_shared>> -> memref<40x16xf32, #tpu.memory_space<vmem_shared>>
      %dma_start3A_62 = arith.constant 0 : i32
      %dma_start3A_63 = arith.constant 0 : i32
      %dma_start3A_64 = tpu.memref_slice %arg5[%dma_start3A_62, %dma_start3A_63] : memref<640x16xf32, #tpu.memory_space<vmem>> -> memref<40x16xf32, #tpu.memory_space<vmem>>
      %dma_start3A_65 = arith.constant 0 : i32
      %dma_start3A_66 = tpu.memref_slice %arg8[%mul3A_49, %dma_start3A_65] : memref<640x16xf32, #tpu.memory_space<vmem_shared>> -> memref<40x16xf32, #tpu.memory_space<vmem_shared>>
      tpu.enqueue_dma source(%dma_start3A_66 : memref<40x16xf32, #tpu.memory_space<vmem_shared>>) target(%dma_start3A_64 : memref<40x16xf32, #tpu.memory_space<vmem>>) target_semaphore(%run_scoped3A_57 : memref<!tpu.dma_semaphore, #tpu.memory_space<semaphore_mem>>)
      %dma_wait3A = arith.constant 0 : i32
      %dma_wait3A_67 = arith.constant 0 : i32
      %dma_wait3A_68 = tpu.memref_slice %arg5[%dma_wait3A, %dma_wait3A_67] : memref<640x16xf32, #tpu.memory_space<vmem>> -> memref<40x16xf32, #tpu.memory_space<vmem>>
      %dma_wait3A_69 = arith.constant 0 : i32
      %dma_wait3A_70 = tpu.memref_slice %arg8[%mul3A_49, %dma_wait3A_69] : memref<640x16xf32, #tpu.memory_space<vmem_shared>> -> memref<40x16xf32, #tpu.memory_space<vmem_shared>>
      %dma_wait3A_71 = arith.constant 0 : i32
      %dma_wait3A_72 = arith.constant 0 : i32
      %dma_wait3A_73 = tpu.memref_slice %arg5[%dma_wait3A_71, %dma_wait3A_72] : memref<640x16xf32, #tpu.memory_space<vmem>> -> memref<40x16xf32, #tpu.memory_space<vmem>>
      %dma_wait3A_74 = arith.constant 0 : i32
      %dma_wait3A_75 = tpu.memref_slice %arg8[%mul3A_49, %dma_wait3A_74] : memref<640x16xf32, #tpu.memory_space<vmem_shared>> -> memref<40x16xf32, #tpu.memory_space<vmem_shared>>
      tpu.wait_dma2 semaphore(%run_scoped3A_57 : memref<!tpu.dma_semaphore, #tpu.memory_space<semaphore_mem>>) src(%dma_wait3A_75 : memref<40x16xf32, #tpu.memory_space<vmem_shared>>) dst(%dma_wait3A_73 : memref<40x16xf32, #tpu.memory_space<vmem>>)
      tpu.yield
    }) : () -> ()
    %scan3A_50 = arith.constant 0 : i32
    %scan3A_51 = arith.constant 40 : i32
    %scan3A_52 = arith.addi %scan3A_50, %scan3A_51 : i32
    %scan3A_53 = arith.constant 1 : i32
    scf.for %scan3A_57 = %scan3A_50 to %scan3A_52 step %scan3A_53  : i32 {
      %mul3A_58 = arith.constant 1 : i32
      %mul3A_59 = arith.muli %scan3A_57, %mul3A_58 : i32
      %add3A_60 = arith.constant 0 : i32
      %add3A_61 = arith.addi %add3A_60, %mul3A_59 : i32
      %get3A = arith.index_cast %add3A_61 : i32 to index
      %get3A_62 = arith.constant 0 : index
      %get3A_63 = tpu.vector_load %arg5[%get3A, %get3A_62] {strides = array<i32>} : memref<640x16xf32, #tpu.memory_space<vmem>>, vector<16xf32>,
      %mul3A_64 = arith.constant 16 : i32
      %mul3A_65 = arith.muli %add3A_61, %mul3A_64 : i32
      %swap3A = arith.index_cast %mul3A_65 : i32 to index
      %swap3A_66 = tpu.vector_load %arg7[%swap3A] {strides = array<i32>} : memref<640xf32, #tpu.memory_space<vmem>>, vector<16xf32>,
      tpu.vector_store %arg7[%swap3A], %get3A_63 {strides = array<i32>} : memref<640xf32, #tpu.memory_space<vmem>>, vector<16xf32>,
    }
    %scan3A_54 = arith.constant 40 : i32
    %mul3A_55 = arith.constant 640 : i32
    %mul3A_56 = arith.muli %arg1, %mul3A_55 : i32
    "tpu.region"() ({
      %run_scoped3A_57 = tpu.sem_alloc : memref<!tpu.dma_semaphore, #tpu.memory_space<semaphore_mem>>
      %dma_start3A = tpu.memref_slice %arg3[%arg0, %mul3A_56] : memref<2x10240xf32, #tpu.memory_space<hbm>> -> memref<1x640xf32, #tpu.memory_space<hbm>>
      %dma_start3A_58 = tpu.memref_squeeze %dma_start3A : memref<1x640xf32, #tpu.memory_space<hbm>> -> memref<640xf32, #tpu.memory_space<hbm>>
      %dma_start3A_59 = tpu.memref_slice %arg3[%arg0, %mul3A_56] : memref<2x10240xf32, #tpu.memory_space<hbm>> -> memref<1x640xf32, #tpu.memory_space<hbm>>
      %dma_start3A_60 = tpu.memref_squeeze %dma_start3A_59 : memref<1x640xf32, #tpu.memory_space<hbm>> -> memref<640xf32, #tpu.memory_space<hbm>>
      tpu.enqueue_dma source(%arg7 : memref<640xf32, #tpu.memory_space<vmem>>) target(%dma_start3A_60 : memref<640xf32, #tpu.memory_space<hbm>>) target_semaphore(%run_scoped3A_57 : memref<!tpu.dma_semaphore, #tpu.memory_space<semaphore_mem>>)
      %dma_wait3A = tpu.memref_slice %arg3[%arg0, %mul3A_56] : memref<2x10240xf32, #tpu.memory_space<hbm>> -> memref<1x640xf32, #tpu.memory_space<hbm>>
      %dma_wait3A_61 = tpu.memref_squeeze %dma_wait3A : memref<1x640xf32, #tpu.memory_space<hbm>> -> memref<640xf32, #tpu.memory_space<hbm>>
      %dma_wait3A_62 = tpu.memref_slice %arg3[%arg0, %mul3A_56] : memref<2x10240xf32, #tpu.memory_space<hbm>> -> memref<1x640xf32, #tpu.memory_space<hbm>>
      %dma_wait3A_63 = tpu.memref_squeeze %dma_wait3A_62 : memref<1x640xf32, #tpu.memory_space<hbm>> -> memref<640xf32, #tpu.memory_space<hbm>>
      tpu.wait_dma2 semaphore(%run_scoped3A_57 : memref<!tpu.dma_semaphore, #tpu.memory_space<semaphore_mem>>) src(%arg7 : memref<640xf32, #tpu.memory_space<vmem>>) dst(%dma_wait3A_63 : memref<640xf32, #tpu.memory_space<hbm>>)
      tpu.yield
    }) : () -> ()
    return
  }
}

</mosaic_0001>

<sc_bundles>
// kernel: _deg_call.3.cloned.1.call-start
scs
__scs_entry_jumppad:
0x0: {  	(pc) =	sbr.rel $0x88, $3  }
0x1: {  	(tag) =	ssettag $0x0;
	lr =	simm.s32 $0x1  }
0x2: {  	[smem:$0x3FA0] =	sst lr;
	_ =	strace $0xD0000000  }
0x3: {  	_ = 	snop  }
0x4: {  	_ = 	snop  }
0x5: {  	_ = 	snop  }
0x6: {  	_ = 	snop  }
0x7: {  	_ = 	snop  }
__scs_overlays_trampoline_lowered:
0x8: {  	[smem:$0x3FAF] =	sst s0  }
0x9: {  	[smem:$0x3FB0] =	sst s1  }
0xa: {  	[smem:$0x3FB1] =	sst s2  }
0xb: {  	[smem:$0x3FB2] =	sst s3  }
0xc: {  	[smem:$0x3FB3] =	sst s4  }
0xd: {  	[smem:$0x3FB4] =	sst s5  }
0xe: {  	[smem:$0x3FB5] =	sst s6  }
0xf: {  	[smem:$0x3FB6] =	sst s7  }
0x10: {  	[smem:$0x3FB7] =	sst s8  }
0x11: {  	[smem:$0x3FB8] =	sst s9;
	s0 =	simm.s32 @!p0 $0x0  }
0x12: {  	s1 =	sld [smem:$0x3F9E];
	s0 =	simm.s32 @p0 $0x1  }
0x13: {  	[smem:$0x3FB9] =	sst s0;
	s0 =	simm.s32 @!p1 $0x0  }
0x14: {  	s2 =	sld [smem:$0x3F9D];
	s0 =	simm.s32 @p1 $0x1  }
0x15: {  	[smem:$0x3FBA] =	sst s0;
	s0 =	simm.s32 @!p2 $0x0  }
0x16: {  	s3 =	sld [smem:$0x3FDB];
	s0 =	simm.s32 @p2 $0x1  }
0x17: {  	s4 =	simm.s32 $0x1BF5;
	[smem:$0x3FBC] =	sst s0  }
0x18: {  	s0 =	sld [smem:$0x3F9F];
	_ =	swait.ge [sflag:s4], $0x0  }
0x19: {  	s7 =	sld [smem:$0x3FA0]  }
0x1a: {  	s8 =	sadd.s32 $0xFFFFE003, lr  }
0x1b: {  	s9 =	sadd.s32 $0xFFFFFEF7, lr;
	s5 =	simm.s32 $0xFFFFFFFF;
	p2 =	slt.u32 s8, $0xFFFFF086  }
0x1c: {  	p1 =	slt.u32 s9, $0xF7A;
	s5 =	simm.s32 @!p2 $0x0  }
0x1d: {  	s5 =	simm.s32 @p1 $0x1;
	p0 =	seq.s32 s7, s2  }
0x1e: {  	s7 =	smul.u32 @!p0 $0xF7A, s2;
	p2 =	seq.s32 @!p0 s5, $0x0  }
0x1f: {  	s9 =	smul.u32 $0xF7A, s1;
	s8 =	simm.s32 @!p0 $0x1BF5;
	p2 =	por !p2, p0  }
0x20: {  	[sflag:s8] =	ssyncset.s32 @!p0 $0xFFFFF086;
	s6 =	sadd.s32 @!p0 s3, s7;
	s7 =	simm.s32 @!p0 $0x108  }
0x21: {  	s3 =	sadd.s32 s3, s9;
	s6 =	sadd.s32 @!p0 $0x88, s6;
	s7 =	simm.s32 @p2 $0x1082  }
0x22: {  	[simem:s7], [sflag:s8] =	dma.local @!p0 [hbm:s6], $0xF7A  }
0x23: {  	s9 =	sor.u32 $0xD0000000, s2;
	s6 =	simm.s32 $0x108;
	_ =	swait.ge @!p0 [sflag:s8], $0x0  }
0x24: {  	s3 =	sadd.s32 $0x88, s3;
	s6 =	simm.s32 @!p1 $0x1082;
	[sflag:s4] =	ssyncset.s32 $0xFFFFF086  }
0x25: {  	[simem:s6], [sflag:s4] =	dma.local [hbm:s3], $0xF7A  }
0x26: {  	[smem:$0x3FA0] =	sst s1;
	(tag) =	ssettag s2;
	_ =	strace s9  }
0x27: {  	s1 =	sld [smem:$0x3FB0]  }
0x28: {  	s2 =	sld [smem:$0x3FB1]  }
0x29: {  	s4 =	sld [smem:$0x3FB3]  }
0x2a: {  	p0 =	seq.s32 s5, $0x0;
	s5 =	sld [smem:$0x3FB4]  }
0x2b: {  	s6 =	sld [smem:$0x3FB5]  }
0x2c: {  	s7 =	sld [smem:$0x3FB6]  }
0x2d: {  	s3 =	simm.s32 $0x108;
	s8 =	sld [smem:$0x3FB7]  }
0x2e: {  	s3 =	simm.s32 @!p0 $0x1082;
	s9 =	sld [smem:$0x3FB8]  }
0x2f: {  	lr =	sadd.s32 s0, s3;
	s0 =	sld [smem:$0x3FAF]  }
0x30: {  	s3 =	sld [smem:$0x3FB2]  }
0x31: {  	[smem:$0x3FBB] =	sst s10  }
0x32: {  	s10 =	sld [smem:$0x3FB9];
	_ =	sdelay $0x3  }
0x33: {  	p0 =	seq.s32 s10, $0x1;
	s10 =	sld [smem:$0x3FBB];
	_ =	sdelay $0x3  }
0x34: {  	[smem:$0x3FBB] =	sst s10  }
0x35: {  	s10 =	sld [smem:$0x3FBA];
	_ =	sdelay $0x3  }
0x36: {  	p1 =	seq.s32 s10, $0x1;
	s10 =	sld [smem:$0x3FBB];
	_ =	sdelay $0x3  }
0x37: {  	[smem:$0x3FBB] =	sst s10  }
0x38: {  	s10 =	sld [smem:$0x3FBC]  }
0x39: {  	_ = 	snop;
	(pc) =	sbr.ind lr, $3  }
0x3a: {  	_ = 	snop  }
0x3b: {  	_ = 	snop  }
0x3c: {  	p2 =	seq.s32 s10, $0x1;
	s10 =	sld [smem:$0x3FBB]  }
0x3d: {  	_ =	shalt  }
0x3e: {  	_ =	shalt  }
0x3f: {  	_ =	shalt  }
0x40: {  	_ =	shalt  }
0x41: {  	_ =	shalt  }
0x42: {  	_ =	shalt  }
0x43: {  	_ =	shalt  }
0x44: {  	_ =	shalt  }
0x45: {  	_ =	shalt  }
0x46: {  	_ =	shalt  }
0x47: {  	_ =	shalt  }
0x48: {  	_ =	shalt  }
0x49: {  	_ =	shalt  }
0x4a: {  	_ =	shalt  }
0x4b: {  	_ =	shalt  }
0x4c: {  	_ =	shalt  }
0x4d: {  	_ =	shalt  }
0x4e: {  	_ =	shalt  }
0x4f: {  	_ =	shalt  }
0x50: {  	_ =	shalt  }
0x51: {  	_ =	shalt  }
0x52: {  	_ =	shalt  }
0x53: {  	_ =	shalt  }
0x54: {  	_ =	shalt  }
0x55: {  	_ =	shalt  }
0x56: {  	_ =	shalt  }
0x57: {  	_ =	shalt  }
0x58: {  	_ =	shalt  }
0x59: {  	_ =	shalt  }
0x5a: {  	_ =	shalt  }
0x5b: {  	_ =	shalt  }
0x5c: {  	_ =	shalt  }
0x5d: {  	_ =	shalt  }
0x5e: {  	_ =	shalt  }
0x5f: {  	_ =	shalt  }
0x60: {  	_ =	shalt  }
0x61: {  	_ =	shalt  }
0x62: {  	_ =	shalt  }
0x63: {  	_ =	shalt  }
0x64: {  	_ =	shalt  }
0x65: {  	_ =	shalt  }
0x66: {  	_ =	shalt  }
0x67: {  	_ =	shalt  }
0x68: {  	_ =	shalt  }
0x69: {  	_ =	shalt  }
0x6a: {  	_ =	shalt  }
0x6b: {  	_ =	shalt  }
0x6c: {  	_ =	shalt  }
0x6d: {  	_ =	shalt  }
0x6e: {  	_ =	shalt  }
0x6f: {  	_ =	shalt  }
0x70: {  	_ =	shalt  }
0x71: {  	_ =	shalt  }
0x72: {  	_ =	shalt  }
0x73: {  	_ =	shalt  }
0x74: {  	_ =	shalt  }
0x75: {  	_ =	shalt  }
0x76: {  	_ =	shalt  }
0x77: {  	_ =	shalt  }
0x78: {  	_ =	shalt  }
0x79: {  	_ =	shalt  }
0x7a: {  	_ =	shalt  }
0x7b: {  	_ =	shalt  }
0x7c: {  	_ =	shalt  }
0x7d: {  	_ =	shalt  }
0x7e: {  	_ =	shalt  }
0x7f: {  	_ =	shalt  }
0x80: {  	_ =	shalt  }
0x81: {  	_ =	shalt  }
0x82: {  	_ =	shalt  }
0x83: {  	_ =	shalt  }
0x84: {  	_ =	shalt  }
0x85: {  	_ =	shalt  }
0x86: {  	_ =	shalt  }
0x87: {  	_ =	shalt  }
.Lfunc_end0:
.L_simem_size_0:
called_computation_lowered:
.L_overlay_start_0:
0x88: {  	s2 =	sld [smem:$0x3FD9]  }
0x89: {  	s3 =	sld [smem:$0x3FFE];
	_ =	sdelay $0x1  }
0x8a: {  	s1 =	srdreg.scid  }
0x8b: {  	s0 =	sand.u32 $0x1, s1  }
0x8c: {  	s16 =	sshll.u32 s0, $0xA;
	s2 =	sadd.s32 s3, s2  }
0x8d: {  	s2 =	sadd.s32 s2, s16  }
0x8e: {  	[smem:$0x3FC7] =	sst s2  }
0x8f: {  	_ = 	snop  }
0x90: {  	(tm) =	ssettm $0x1  }
0x91: {  	s17 =	sld [smem:$0x3FFB];
	_ =	sdelay $0x3  }
0x92: {  	_ =	strace s17  }
0x93: {  	s2 =	sld [smem:$0x3FFC];
	_ =	sdelay $0x3  }
0x94: {  	_ =	strace s2  }
0x95: {  	s2 =	sld [smem:$0x3FFD];
	_ =	sdelay $0x3  }
0x96: {  	_ =	strace s2  }
0x97: {  	_ =	strace $0x8FFFFFFF  }
0x98: {  	s18 =	sld [smem:$0x3FDB];
	_ =	sdelay $0x1  }
0x99: {  	s19 =	simm.s32 $_scs_section_size  }
0x9a: {  	s4 =	simm.s32 $_size__tile_overlayer_lowered;
	s5 =	simm.s32 $_tile_overlayer_lowered  }
0x9b: {  	s22 =	simm.s32 $0x1BFF;
	s21 =	sshll.u32 s5, $0x1;
	s2 =	sadd.s32 s19, s18  }
0x9c: {  	s6 =	simm.s32 $0x0;
	s20 =	sshll.u32 s4, $0x1;
	s4 =	sadd.s32 s21, s2  }
0x9d: {  	[timem:s6], [sflag:s22] =	dma.local [hbm:s4], s20  }
0x9e: {  	_ =	swait.ge [sflag:s22], s20  }
0x9f: {  	s3 =	ssub.s32 $0x0, s20;
	[sflag:s22] =	ssyncset.done $0x0  }
0xa0: {  	[sflag:s22] =	ssyncadd.s32 s3;
	_ =	sdelay $0x1  }
0xa1: {  	s23 =	simm.s32 $0x1B8B  }
0xa2: {  	_ =	swait.ge [sflag:s23], $0x1  }
0xa3: {  	[sflag:s23] =	ssyncset.done $0x0  }
0xa4: {  	s25 =	simm.s32 $0x1B8E;
	s24 =	sld [smem:$0x3FFE];
	[sflag:s23] =	ssyncadd.s32 $0xFFFFFFFF  }
0xa5: {  	s26 =	simm.s32 $execute0_lowered;
	[smem:$0x3FD2] =	sst s25  }
0xa6: {  	s4 =	sshll.u32 s26, $0x1;
	_ =	strace $0x80000046;
	[dreg:$0x1] =	wrdreg $0xFFFFFFFF  }
0xa7: {  	s28 =	simm.s32 $_size_execute0_lowered;
	s2 =	sadd.s32 s2, s4;
	[dreg:$0x0] =	wrdreg $0x0  }
0xa8: {  	s4 =	sshll.u32 s28, $0x1;
	[dreg:$0x2] =	wrdreg s2  }
0xa9: {  	[dreg:$0x3] =	wrdreg s4  }
0xaa: {  	[dreg:$0x4] =	wrdreg $0xC0  }
0xab: {  	_ =	task [dreg:s6], $0x5FFFF  }
0xac: {  	[dreg:$0x1] =	wrdreg $0xFFFFFFFF  }
0xad: {  	[dreg:$0x0] =	wrdreg $0x60  }
0xae: {  	[dreg:$0x2] =	wrdreg s24  }
0xaf: {  	[dreg:$0x3] =	wrdreg $0x54100  }
0xb0: {  	[dreg:$0x4] =	wrdreg $0x9  }
0xb1: {  	_ =	task.clear_ibuf [dreg:s6], $0x5FFFF;
	_ =	strace $0x90000046  }
0xb2: {  	s29 =	simm.s32 $0x9;
	_ =	strace $0x80000048  }
0xb3: {  	_ =	swait.ge [sflag:s29], $0x1  }
0xb4: {  	[sflag:s29] =	ssyncadd.s32 $0xFFFFFFFF  }
0xb5: {  	_ =	strace $0x90000048  }
0xb6: {  	_ =	sfence  }
0xb7: {  	s30 =	sld [smem:$0x0];
	_ =	sdelay $0x2  }
0xb8: {  	s31 =	sshll.u32 s1, $0xD;
	s1 =	sshrl.u32 s1, $0x2  }
0xb9: {  	s3 =	sand.u32 $0x4000, s31;
	s1 =	sadd.s32 s1, s30  }
0xba: {  	s0 =	sor.u32 s3, s0;
	s1 =	sshll.u32 s1, $0x11  }
0xbb: {  	s0 =	sor.u32 s1, s0  }
0xbc: {  	s0 =	sadd.s32 $0x8F2B, s0  }
0xbd: {  	[sflag:s0] =	ssyncadd.remote.s32 $0x1  }
0xbe: {  	_ =	sfence.sel $0xFFFF  }
0xbf: {  	[dreg:$0x0] =	wrdreg $0xFFFFFFFF;
	(pc) =	sbr.abs _section_cstart, $3  }
0xc0: {  	[dreg:$0x1] =	wrdreg $0xFFFFFFFF  }
0xc1: {  	_ =	task.clear_ibuf [dreg:s6], $0x2FFFF;
	_ =	strace $0x9FFFFFFF  }
0xc2: {  	(tm) =	ssettm $0x7FFFFFFF  }
0xc3: {  	_ =	shalt  }
tec
execute0_lowered:
.L_overlay_start_1:
0x0: {  	(tag) =	ssettag $0x1  }
0x1: {  	s0 =	srdreg.scid;
	s3 =	rddreg [dreg:$0x0]  }
0x2: {  	v0 =	vlaneseq.u32;
	s7 =	stileid.u32;
	v1 =	vimm.f32 $0.0e+00;
	s1 =	rddreg [dreg:$0x2];
	v41 =	vimm.f32 $1.000000000e+00  }
0x3: {  	s2 =	simm.s32 $0x0;
	s10 =	simm.s32 $0x4F10;
	s11 =	simm.s32 $0x4F90;
	v2 =	vor.u32 $0x10, v0;
	v3 =	vor.u32 $0x20, v0;
	v4 =	vor.u32 $0x30, v0  }
0x4: {  	s12 =	simm.s32 $0x2F10;
	s13 =	simm.s32 $0x5010;
	s14 =	simm.s32 $0x3710;
	v5 =	vor.u32 $0x40, v0;
	v6 =	vor.u32 $0x50, v0;
	v7 =	vor.u32 $0x60, v0  }
0x5: {  	s15 =	simm.s32 $0x5090;
	s16 =	simm.s32 $0x3F10;
	s17 =	simm.s32 $0x5110;
	v8 =	vor.u32 $0x70, v0;
	v9 =	vor.u32 $0x80, v0;
	v10 =	vor.u32 $0x90, v0  }
0x6: {  	s18 =	simm.s32 $0x4710;
	s19 =	simm.s32 $0x5190;
	s20 =	simm.s32 $0x0;
	v11 =	vor.u32 $0xA0, v0;
	v12 =	vor.u32 $0xB0, v0;
	v13 =	vor.u32 $0xC0, v0  }
0x7: {  	s4 =	sand.u32 $0x1, s0;
	s0 =	rddreg [dreg:$0x1];
	s6 =	smul.u32 $0x280, s7;
	v14 =	vor.u32 $0xD0, v0;
	v15 =	vor.u32 $0xE0, v0;
	v16 =	vor.u32 $0xF0, v0  }
0x8: {  	[smem:$0x7FF] =	sst s2;
	s29 =	smul.u32 $0xA00, s7;
	v17 =	vor.u32 $0x100, v0;
	v18 =	vor.u32 $0x110, v0;
	v19 =	vor.u32 $0x120, v0;
	p0 =	sne.s32 s7, $0x0  }
0x9: {  	v20 =	vor.u32 $0x130, v0;
	v21 =	vor.u32 $0x140, v0;
	v22 =	vor.u32 $0x150, v0;
	s5 =	smul.u32 $0x2800, s4;
	s8 =	sshll.u32 s4, $0x4;
	s4 =	ssub.s32 $0x2, s4  }
0xa: {  	v23 =	vor.u32 $0x160, v0;
	v24 =	vor.u32 $0x170, v0;
	v25 =	vor.u32 $0x180, v0;
	_ =	strace $0x80000047;
	s8 =	sor.u32 s7, s8;
	s9 =	sshrl.u32 s4, $0x1  }
0xb: {  	v26 =	vor.u32 $0x190, v0;
	v27 =	vor.u32 $0x1A0, v0;
	v28 =	vor.u32 $0x1B0, v0;
	s31 =	sshrl.u32 s29, $0x2;
	s7 =	simm.s32 $0x1;
	s28 =	smul.u32 $0x2710, s8  }
0xc: {  	v29 =	vor.u32 $0x1C0, v0;
	v30 =	vor.u32 $0x1D0, v0;
	v31 =	vor.u32 $0x1E0, v0;
	s5 =	sadd.s32 s6, s5;
	s30 =	ssub.s32 s4, s9;
	s4 =	sadd.s32 s31, s0  }
0xd: {  	v32 =	vor.u32 $0x1F0, v0;
	v33 =	vor.u32 $0x200, v0;
	v34 =	vor.u32 $0x210, v0;
	s8 =	simm.s32 $0x2710;
	s5 =	sshrl.u32 s5, $0x3;
	s6 =	sshrl.u32 s28, $0x3  }
0xe: {  	v35 =	vor.u32 $0x220, v0;
	v36 =	vor.u32 $0x230, v0;
	v37 =	vor.u32 $0x240, v0;
	s9 =	simm.s32 $0x80;
	s5 =	sadd.s32 s5, s3;
	s3 =	sadd.s32 s3, s6  }
0xf: {  	v38 =	vor.u32 $0x250, v0;
	v39 =	vor.u32 $0x260, v0;
	v40 =	vor.u32 $0x270, v0;
	s5 =	sadd.s32 $0x13E00, s5;
	s6 =	smax.u32 s30, $0x1;
	s3 =	sadd.s32 $0xA040, s3  }
.LBB2_1:
0x10: {  	s21 =	simm.s32 $0x40;
	s22 =	simm.s32 $0x0  }
.LBB2_2:
0x11: {  	p1 =	sne.s32 s21, $0x9FC0;
	[tilespmem:s22+$0x2710] =	vst v1;
	s22 =	smov.u32 s21;
	s21 =	sadd.s32 $0x40, s21  }
.Ltmp0:
0x12: {  	(pc) =	sbr.rel @p1 .LBB2_2-.Ltmp0, $2  }
0x13: {  	_ =	sdelay $0x2  }
0x14: {  	s22 =	sshra.s32 s22, $0x2  }
0x15: {  	[tilespmem:s22+$0x2710] =	vst v1  }
0x16: {  	[tilespmem:$0x4F10] =	vst v0  }
0x17: {  	[tilespmem:$0x4F20] =	vst v2  }
0x18: {  	[tilespmem:$0x4F30] =	vst v3  }
0x19: {  	[tilespmem:$0x4F40] =	vst v4  }
0x1a: {  	[tilespmem:$0x4F50] =	vst v5  }
0x1b: {  	[tilespmem:$0x4F60] =	vst v6  }
0x1c: {  	[tilespmem:$0x4F70] =	vst v7  }
0x1d: {  	[tilespmem:$0x4F80] =	vst v8  }
0x1e: {  	[tilespmem:$0x4F90] =	vst v9  }
0x1f: {  	[tilespmem:$0x4FA0] =	vst v10  }
0x20: {  	[tilespmem:$0x4FB0] =	vst v11  }
0x21: {  	[tilespmem:$0x4FC0] =	vst v12  }
0x22: {  	[tilespmem:$0x4FD0] =	vst v13  }
0x23: {  	[tilespmem:$0x4FE0] =	vst v14  }
0x24: {  	[tilespmem:$0x4FF0] =	vst v15  }
0x25: {  	[tilespmem:$0x5000] =	vst v16  }
0x26: {  	[tilespmem:$0x5010] =	vst v17  }
0x27: {  	[tilespmem:$0x5020] =	vst v18  }
0x28: {  	[tilespmem:$0x5030] =	vst v19  }
0x29: {  	[tilespmem:$0x5040] =	vst v20  }
0x2a: {  	[tilespmem:$0x5050] =	vst v21  }
0x2b: {  	[tilespmem:$0x5060] =	vst v22  }
0x2c: {  	[tilespmem:$0x5070] =	vst v23  }
0x2d: {  	[tilespmem:$0x5080] =	vst v24  }
0x2e: {  	[tilespmem:$0x5090] =	vst v25  }
0x2f: {  	[tilespmem:$0x50A0] =	vst v26  }
0x30: {  	[tilespmem:$0x50B0] =	vst v27  }
0x31: {  	[tilespmem:$0x50C0] =	vst v28  }
0x32: {  	[tilespmem:$0x50D0] =	vst v29  }
0x33: {  	[tilespmem:$0x50E0] =	vst v30  }
0x34: {  	[tilespmem:$0x50F0] =	vst v31  }
0x35: {  	[tilespmem:$0x5100] =	vst v32  }
0x36: {  	[tilespmem:$0x5110] =	vst v33  }
0x37: {  	[tilespmem:$0x5120] =	vst v34  }
0x38: {  	[tilespmem:$0x5130] =	vst v35  }
0x39: {  	[tilespmem:$0x5140] =	vst v36  }
0x3a: {  	[tilespmem:$0x5150] =	vst v37  }
0x3b: {  	[tilespmem:$0x5160] =	vst v38  }
0x3c: {  	[tilespmem:$0x5170] =	vst v39  }
0x3d: {  	s21 =	simm.s32 @!p0 $0x2710;
	[tilespmem:$0x5180] =	vst v40  }
0x3e: {  	[spmem:s0] =	stream.linear.scatter @!p0 [tilespmem:s21], [sflag:$0x1], $0x2800, $0x38;
	[tilespmem:$0x5690] =	vst v63  }
0x3f: {  	s21 =	simm.s32 @!p0 $0x1  }
0x40: {  	_ =	swait.ge @!p0 [sflag:s21], $0x2800  }
0x41: {  	[sflag:s21] =	ssyncset.done @!p0 $0x0  }
0x42: {  	s31 =	simm.s32 $0x0;
	[sflag:s21] =	ssyncadd.s32 @!p0 $0xFFFFD800  }
0x43: {  	[tilespmem:s31], [sflag:$0x1] =	stream.linear.gather [hbm4b:s3+s31], $0x2710, $0x38;
	[tilespmem:$0x5690] =	vst v63  }
0x44: {  	_ =	swait.ge [sflag:s7], $0x2710  }
0x45: {  	[sflag:s7] =	ssyncset.done $0x0  }
0x46: {  	s22 =	simm.s32 $0x0;
	s21 =	simm.s32 $0x40;
	[sflag:s7] =	ssyncadd.s32 $0xFFFFD8F0  }
.LBB2_4:
0x47: {  	p1 =	sne.s32 s21, $0x9C00;
	v42 =	vld [tilespmem:s22+$0x0];
	_ =	sdelay $0x3  }
.Ltmp1:
0x48: {  	(pc) =	sbr.rel @p1 .LBB2_4-.Ltmp1, $2  }
0x49: {  	_ =	sdelay $0x2  }
0x4a: {  	s22 =	sshra.s32 s21, $0x2;
	s21 =	sadd.s32 $0x40, s21;
	[tilespmem:v42+s8+$0x0] =	vst.idx.add.f32.msk $0xffff, v41  }
0x4b: {  	v42 =	vld [tilespmem:s22+$0x0];
	_ =	sdelay $0x7  }
0x4c: {  	[tilespmem:v42+s8+$0x0] =	vst.idx.add.f32.msk $0xffff, v41  }
0x4d: {  	[bflag:$0x0] =	sbarrier.arrive $0xFFFF  }
0x4e: {  	[spmem:s0] =	stream.indirect.scatter.add.f32 [tilespmem:s8], [sflag:$0x1], $0x10, s10, s9, $0xb8;
	[tilespmem:$0x5690] =	vst v63  }
0x4f: {  	_ =	swait.ge [sflag:s7], $0x800  }
0x50: {  	[sflag:s7] =	ssyncset.done $0x0  }
0x51: {  	[sflag:s7] =	ssyncadd.s32 $0xFFFFF800  }
0x52: {  	[spmem:s0] =	stream.indirect.scatter.add.f32 [tilespmem:s12], [sflag:$0x1], $0x10, s11, s9, $0xb8;
	[tilespmem:$0x5690] =	vst v63  }
0x53: {  	_ =	swait.ge [sflag:s7], $0x800  }
0x54: {  	[sflag:s7] =	ssyncset.done $0x0  }
0x55: {  	[sflag:s7] =	ssyncadd.s32 $0xFFFFF800  }
0x56: {  	[spmem:s0] =	stream.indirect.scatter.add.f32 [tilespmem:s14], [sflag:$0x1], $0x10, s13, s9, $0xb8;
	[tilespmem:$0x5690] =	vst v63  }
0x57: {  	_ =	swait.ge [sflag:s7], $0x800  }
0x58: {  	[sflag:s7] =	ssyncset.done $0x0  }
0x59: {  	[sflag:s7] =	ssyncadd.s32 $0xFFFFF800  }
0x5a: {  	[spmem:s0] =	stream.indirect.scatter.add.f32 [tilespmem:s16], [sflag:$0x1], $0x10, s15, s9, $0xb8;
	[tilespmem:$0x5690] =	vst v63  }
0x5b: {  	_ =	swait.ge [sflag:s7], $0x800  }
0x5c: {  	[sflag:s7] =	ssyncset.done $0x0  }
0x5d: {  	[sflag:s7] =	ssyncadd.s32 $0xFFFFF800  }
0x5e: {  	[spmem:s0] =	stream.indirect.scatter.add.f32 [tilespmem:s18], [sflag:$0x1], $0x10, s17, s9, $0xb8;
	[tilespmem:$0x5690] =	vst v63  }
0x5f: {  	_ =	swait.ge [sflag:s7], $0x800  }
0x60: {  	[sflag:s7] =	ssyncset.done $0x0  }
0x61: {  	[sflag:s7] =	ssyncadd.s32 $0xFFFFF800  }
0x62: {  	[bflag:$0x0] =	sbarrier.arrive $0xFFFF  }
0x63: {  	[tilespmem:s8], [sflag:$0x1] =	stream.linear.gather [spmem:s4], $0x280, $0x38;
	[tilespmem:$0x5690] =	vst v63  }
0x64: {  	_ =	swait.ge [sflag:s7], $0x280  }
0x65: {  	[sflag:s7] =	ssyncset.done $0x0  }
0x66: {  	s21 =	simm.s32 $0x0;
	[sflag:s7] =	ssyncadd.s32 $0xFFFFFD80  }
0x67: {  	s22 =	simm.s32 $0x40;
	v42 =	vld [tilespmem:s21+$0x2710]  }
.LBB2_6:
0x68: {  	p1 =	sne.s32 s22, $0x9C0  }
.Ltmp2:
0x69: {  	_ = 	snop;
	(pc) =	sbr.rel @p1 .LBB2_6-.Ltmp2, $3  }
0x6a: {  	_ =	sdelay $0x1  }
0x6b: {  	[tilespmem:s21+$0x5190] =	vst v42;
	s21 =	sshra.s32 s22, $0x2;
	s22 =	sadd.s32 $0x40, s22  }
0x6c: {  	v42 =	vld [tilespmem:s21+$0x2710]  }
0x6d: {  	_ =	sdelay $0x1  }
0x6e: {  	s20 =	sadd.s32 $0x1, s20  }
0x6f: {  	p1 =	sne.s32 s20, s6  }
.Ltmp3:
0x70: {  	[tilespmem:s21+$0x5190] =	vst v42;
	(pc) =	sbr.rel @p1 .LBB2_1-.Ltmp3, $4  }
0x71: {  	[hbm4b:s5+s2] =	stream.linear.scatter [tilespmem:s19], [sflag:$0x1], $0x280, $0x38;
	[tilespmem:$0x5690] =	vst v63  }
0x72: {  	_ =	swait.ge [sflag:s7], $0x280  }
0x73: {  	[sflag:s7] =	ssyncset.done $0x0  }
0x74: {  	[sflag:s7] =	ssyncadd.s32 $0xFFFFFD80  }
0x75: {  	_ =	sfence.sel $0x180000  }
0x76: {  	[bflag:$0x0] =	sbarrier.arrive $0xFFFF  }
0x77: {  	_ =	strace $0x90000047  }
0x78: {  	s0 =	sadd.s32 @!p0 $0x100000, s1;
	[bflag:$0x2] =	sbarrier.arrive $0xFFFF  }
0x79: {  	[sflag:s0] =	ssyncadd.tile.s32 @!p0 $0x1;
	_ =	shalt  }
.Lfunc_end2:
_tile_overlayer_lowered:
.L_overlay_start_2:
0x7a: {  	(tag) =	ssettag $0x2  }
0x7b: {  	s0 =	rddreg [dreg:$0x0];
	s2 =	stileid.u32  }
0x7c: {  	s1 =	rddreg [dreg:$0x1];
	p0 =	sne.s32 s2, $0x0  }
0x7d: {  	s3 =	rddreg [dreg:$0x2];
	[bflag:$0x3] =	sbarrier.arrive $0xFFFF;
	s2 =	simm.s32 @!p0 $0x1C01  }
0x7e: {  	[timem:s3], [sflag:s2] =	dma.local @!p0 [hbm:s0], s1  }
0x7f: {  	s0 =	simm.s32 @!p0 $0x1  }
0x80: {  	_ =	swait.ge @!p0 [sflag:s0], s1  }
0x81: {  	s1 =	ssub.s32 @!p0 $0x0, s1;
	[sflag:s0] =	ssyncset.done @!p0 $0x0  }
0x82: {  	[sflag:s0] =	ssyncadd.s32 @!p0 s1  }
0x83: {  	[bflag:$0x3] =	sbarrier.arrive $0xFFFF  }
0x84: {  	_ =	shalt  }

</sc_bundles>
